<compile_context>
chip_gen: v7x
topology: tpu7x:2x2x1
jax: 0.10.2.dev20260603
libtpu: 0.0.44.dev20260713+nightly
codegen_flags: <defaults>
</compile_context>

<pallas_src>
import functools

import jax
import jax.numpy as jnp
from jax import lax
from jax.experimental import pallas as pl
from jax.experimental.pallas import tpu as pltpu
from jax.experimental.pallas import tpu_sc as plsc

_NB = 16
_NVB = 1000


def _sc_gather_diff(table, idx_w):
    info = plsc.get_sparse_core_info()
    nw = info.num_cores * info.num_subcores
    per_w = idx_w.shape[1]
    n_vec = per_w // 16

    mesh = plsc.VectorSubcoreMesh(core_axis_name="c", subcore_axis_name="s")

    @functools.partial(
        pl.kernel,
        mesh=mesh,
        out_type=[jax.ShapeDtypeStruct((nw, per_w), jnp.float32)] * 3,
        scratch_types=[
            pltpu.VMEM(table.shape, jnp.float32),
            pltpu.VMEM((per_w,), jnp.int32),
            pltpu.VMEM((per_w,), jnp.float32),
            pltpu.VMEM((per_w,), jnp.float32),
            pltpu.VMEM((per_w,), jnp.float32),
        ],
        compiler_params=pltpu.CompilerParams(needs_layout_passes=False),
    )
    def gather_k(table_hbm, idx_hbm, ox_hbm, oy_hbm, oz_hbm, table_v, idx_v,
                 rvx, rvy, rvz):
        wid = lax.axis_index("s") * info.num_cores + lax.axis_index("c")
        pltpu.sync_copy(table_hbm, table_v)
        pltpu.sync_copy(idx_hbm.at[wid], idx_v)
        planes = (rvx, rvy, rvz)

        def body(i, carry):
            base = pl.multiple_of(i * 16, 16)
            iv = idx_v[pl.ds(base, 16)] * 3
            rbase = (wid * n_vec + i) * 3
            for c in range(3):
                vals = plsc.load_gather(table_v, [iv + c])
                cen = plsc.load_gather(
                    table_v, [jnp.full((16,), rbase + c, jnp.int32)]
                )
                planes[c][pl.ds(base, 16)] = vals - cen
            return carry

        lax.fori_loop(0, n_vec, body, 0)
        pltpu.sync_copy(rvx, ox_hbm.at[wid])
        pltpu.sync_copy(rvy, oy_hbm.at[wid])
        pltpu.sync_copy(rvz, oz_hbm.at[wid])

    return gather_k(table, idx_w)


def _conv_body(s_ref, x_ref, y_ref, z_ref, o_ref):
    s = s_ref[...]
    s2 = jnp.sum(s * s, axis=0, keepdims=True)
    sn = s * (1.0 / jnp.maximum(jnp.sqrt(s2), 1e-12))
    sx = sn[0:1, :].reshape(1, 1, 256)
    sy = sn[1:2, :].reshape(1, 1, 256)
    sz = sn[2:3, :].reshape(1, 1, 256)

    dx, dy, dz = x_ref[...], y_ref[...], z_ref[...]
    n2 = dx * dx + dy * dy + dz * dz
    inv = lax.rsqrt(jnp.maximum(n2, 1e-24))
    bf = jnp.bfloat16
    dx = (dx * inv).astype(bf)
    dy = (dy * inv).astype(bf)
    dz = (dz * inv).astype(bf)
    sx, sy, sz = sx.astype(bf), sy.astype(bf), sz.astype(bf)
    th = (dx[:, :, None] * sx + dy[:, :, None] * sy
          + dz[:, :, None] * sz)
    m8 = jnp.maximum(th[:, 0:8, :], th[:, 8:16, :])
    m4 = jnp.maximum(m8[:, 0:4, :], m8[:, 4:8, :])
    m2 = jnp.maximum(m4[:, 0:2, :], m4[:, 2:4, :])
    m1 = jnp.maximum(m2[:, 0:1, :], m2[:, 1:2, :])
    m = m1.reshape(m1.shape[0], 256).astype(jnp.float32)
    m = jnp.maximum(m, 0.0)
    mm = m[:, 0:128] + m[:, 128:256]
    o_ref[...] = mm[:, 0:64] + mm[:, 64:128]


def _tc_conv(directions, gx, gy, gz, n_rows):
    grid = (n_rows // _NVB,)
    plane = pl.BlockSpec((_NVB, _NB), lambda i: (i, 0))
    return pl.pallas_call(
        _conv_body,
        grid=grid,
        in_specs=[
            pl.BlockSpec((3, 256), lambda i: (0, 0)),
            plane, plane, plane,
        ],
        out_specs=pl.BlockSpec((_NVB, 64), lambda i: (i, 0)),
        out_shape=jax.ShapeDtypeStruct((n_rows, 64), jnp.float32),
        compiler_params=pltpu.CompilerParams(
            dimension_semantics=("parallel",),
        ),
    )(directions, gx, gy, gz)


def kernel(neighbor_index, vertices, directions):
    bs, v, nb = neighbor_index.shape
    n_rows = bs * v
    n_idx = bs * v * nb
    nw = 32
    table = vertices.reshape(n_rows * 3)
    idx_w = (
        neighbor_index + (jnp.arange(bs, dtype=jnp.int32) * v)[:, None, None]
    ).reshape(nw, n_idx // nw)
    ox, oy, oz = _sc_gather_diff(table, idx_w)
    gx = ox.reshape(n_rows, nb)
    gy = oy.reshape(n_rows, nb)
    gz = oz.reshape(n_rows, nb)
    out = _tc_conv(directions, gx, gy, gz, n_rows)
    return out.reshape(bs, v, 64)

# --- scband reference (transcript-rebuilt; emitter-appended) ---
"""Pipeline reference for scband-conv-surface-29334626632162 (READ-ONLY COPY).

The authoritative reference and input builder live on the scoring server;
editing this copy changes nothing except your own understanding.
"""

import jax, jax.numpy as jnp
import numpy as np

KERNEL_NUM = 64
N_SUPPORT = 4
BS, V, NB = 2, 10000, 16


def setup_inputs(seed: int = 0) -> dict:
    key = jax.random.key(seed)
    k1, k2, k3 = jax.random.split(key, 3)
    neighbor_index = jax.random.randint(k1, (BS, V, NB), 0, V, dtype=jnp.int32)
    vertices = jax.random.normal(k2, (BS, V, 3), dtype=jnp.float32)
    stdv = 1.0 / np.sqrt(N_SUPPORT * KERNEL_NUM)
    directions = jax.random.uniform(k3, (3, N_SUPPORT * KERNEL_NUM), dtype=jnp.float32, minval=-stdv, maxval=stdv)
    return {"neighbor_index": neighbor_index, "vertices": vertices, "directions": directions}


def reference(neighbor_index, vertices, directions):
    bs, v, n = neighbor_index.shape
    id0 = jnp.arange(bs)[:, None, None]
    # gather neighbor coordinates: (bs, v, n, 3)
    neighbors = vertices[id0, neighbor_index]
    neighbor_direction = neighbors - vertices[:, :, None, :]
    norm = jnp.linalg.norm(neighbor_direction, axis=-1, keepdims=True)
    neighbor_direction_norm = neighbor_direction / jnp.maximum(norm, 1e-12)
    dnorm = jnp.linalg.norm(directions, axis=0, keepdims=True)
    support_direction_norm = directions / jnp.maximum(dnorm, 1e-12)
    theta = neighbor_direction_norm @ support_direction_norm  # (bs, v, n, n_support*kernel_num)
    theta = jax.nn.relu(theta)
    theta = theta.reshape(bs, v, n, N_SUPPORT, KERNEL_NUM)
    theta = jnp.max(theta, axis=2)  # (bs, v, n_support, kernel_num)
    feature = jnp.sum(theta, axis=2)  # (bs, v, kernel_num)
    return feature

if __name__ == "__main__":
    import jax
    _d = setup_inputs()
    print(jax.jit(kernel)(*tuple(_d.values())))

</pallas_src>

<mosaic_0001>
#map = affine_map<(d0, d1) -> (0)>
#map1 = affine_map<(d0, d1) -> (0, 0)>
module attributes {stable_mosaic.version = 14 : i64} {
  func.func @gather_k(%arg0: i32, %arg1: i32, %arg2: memref<60000xf32, #tpu.memory_space<hbm>>, %arg3: memref<32x10000xi32, #tpu.memory_space<hbm>>, %arg4: memref<32x10000xf32, #tpu.memory_space<hbm>>, %arg5: memref<32x10000xf32, #tpu.memory_space<hbm>>, %arg6: memref<32x10000xf32, #tpu.memory_space<hbm>>, %arg7: memref<60000xf32, #tpu.memory_space<vmem>>, %arg8: memref<10000xi32, #tpu.memory_space<vmem>>, %arg9: memref<10000xf32, #tpu.memory_space<vmem>>, %arg10: memref<10000xf32, #tpu.memory_space<vmem>>, %arg11: memref<10000xf32, #tpu.memory_space<vmem>>) attributes {dimension_semantics = [#tpu.dimension_semantics<core_parallel>, #tpu.dimension_semantics<subcore_parallel>], iteration_bounds = array<i64: 2, 16>, scalar_prefetch = 0 : i64, scratch_operands = 5 : i64, tpu.core_type = #tpu.core_type<sc_vector_subcore>, window_params = [{transform_indices = #map}, {transform_indices = #map1}, {transform_indices = #map1}, {transform_indices = #map1}, {transform_indices = #map1}]} {
    %mul3A = arith.constant 2 : i32
    %mul3A_0 = arith.muli %arg1, %mul3A : i32
    %add3A = arith.addi %mul3A_0, %arg0 : i32
    "tpu.region"() ({
      %run_scoped3A = tpu.sem_alloc : memref<!tpu.dma_semaphore, #tpu.memory_space<semaphore_mem>>
      tpu.enqueue_dma source(%arg2 : memref<60000xf32, #tpu.memory_space<hbm>>) target(%arg7 : memref<60000xf32, #tpu.memory_space<vmem>>) target_semaphore(%run_scoped3A : memref<!tpu.dma_semaphore, #tpu.memory_space<semaphore_mem>>)
      tpu.wait_dma2 semaphore(%run_scoped3A : memref<!tpu.dma_semaphore, #tpu.memory_space<semaphore_mem>>) src(%arg2 : memref<60000xf32, #tpu.memory_space<hbm>>) dst(%arg7 : memref<60000xf32, #tpu.memory_space<vmem>>)
      tpu.yield
    }) : () -> ()
    "tpu.region"() ({
      %run_scoped3A = tpu.sem_alloc : memref<!tpu.dma_semaphore, #tpu.memory_space<semaphore_mem>>
      %dma_start3A = arith.constant 0 : i32
      %dma_start3A_6 = tpu.memref_slice %arg3[%add3A, %dma_start3A] : memref<32x10000xi32, #tpu.memory_space<hbm>> -> memref<1x10000xi32, #tpu.memory_space<hbm>>
      %dma_start3A_7 = tpu.memref_squeeze %dma_start3A_6 : memref<1x10000xi32, #tpu.memory_space<hbm>> -> memref<10000xi32, #tpu.memory_space<hbm>>
      %dma_start3A_8 = arith.constant 0 : i32
      %dma_start3A_9 = tpu.memref_slice %arg3[%add3A, %dma_start3A_8] : memref<32x10000xi32, #tpu.memory_space<hbm>> -> memref<1x10000xi32, #tpu.memory_space<hbm>>
      %dma_start3A_10 = tpu.memref_squeeze %dma_start3A_9 : memref<1x10000xi32, #tpu.memory_space<hbm>> -> memref<10000xi32, #tpu.memory_space<hbm>>
      tpu.enqueue_dma source(%dma_start3A_10 : memref<10000xi32, #tpu.memory_space<hbm>>) target(%arg8 : memref<10000xi32, #tpu.memory_space<vmem>>) target_semaphore(%run_scoped3A : memref<!tpu.dma_semaphore, #tpu.memory_space<semaphore_mem>>)
      %dma_wait3A = arith.constant 0 : i32
      %dma_wait3A_11 = tpu.memref_slice %arg3[%add3A, %dma_wait3A] : memref<32x10000xi32, #tpu.memory_space<hbm>> -> memref<1x10000xi32, #tpu.memory_space<hbm>>
      %dma_wait3A_12 = tpu.memref_squeeze %dma_wait3A_11 : memref<1x10000xi32, #tpu.memory_space<hbm>> -> memref<10000xi32, #tpu.memory_space<hbm>>
      %dma_wait3A_13 = arith.constant 0 : i32
      %dma_wait3A_14 = tpu.memref_slice %arg3[%add3A, %dma_wait3A_13] : memref<32x10000xi32, #tpu.memory_space<hbm>> -> memref<1x10000xi32, #tpu.memory_space<hbm>>
      %dma_wait3A_15 = tpu.memref_squeeze %dma_wait3A_14 : memref<1x10000xi32, #tpu.memory_space<hbm>> -> memref<10000xi32, #tpu.memory_space<hbm>>
      tpu.wait_dma2 semaphore(%run_scoped3A : memref<!tpu.dma_semaphore, #tpu.memory_space<semaphore_mem>>) src(%dma_wait3A_15 : memref<10000xi32, #tpu.memory_space<hbm>>) dst(%arg8 : memref<10000xi32, #tpu.memory_space<vmem>>)
      tpu.yield
    }) : () -> ()
    %scan3A = arith.constant 0 : i32
    %scan3A_1 = arith.constant 0 : i32
    %scan3A_2 = arith.constant 625 : i32
    %scan3A_3 = arith.addi %scan3A_1, %scan3A_2 : i32
    %scan3A_4 = arith.constant 1 : i32
    scf.for %scan3A_6 = %scan3A_1 to %scan3A_3 step %scan3A_4  : i32 {
      %mul3A_7 = arith.constant 16 : i32
      %mul3A_8 = arith.muli %scan3A_6, %mul3A_7 : i32
      %multiple_of3A = tpu.assume_multiple %mul3A_8, 16 : i32
      %get3A = arith.index_cast %multiple_of3A : i32 to index
      %get3A_9 = tpu.vector_load %arg8[%get3A] {strides = array<i32>} : memref<10000xi32, #tpu.memory_space<vmem>>, vector<16xi32>,
      %mul3A_10 = arith.constant 3 : i32
      %mul3A_11 = vector.broadcast %mul3A_10 : i32 to vector<16xi32>
      %mul3A_12 = arith.muli %get3A_9, %mul3A_11 : vector<16xi32>
      %mul3A_13 = arith.constant 625 : i32
      %mul3A_14 = arith.muli %add3A, %mul3A_13 : i32
      %add3A_15 = arith.addi %mul3A_14, %scan3A_6 : i32
      %mul3A_16 = arith.constant 3 : i32
      %mul3A_17 = arith.muli %add3A_15, %mul3A_16 : i32
      %add3A_18 = arith.constant 0 : i32
      %add3A_19 = vector.broadcast %add3A_18 : i32 to vector<16xi32>
      %add3A_20 = arith.addi %mul3A_12, %add3A_19 : vector<16xi32>
      %gather3A = tpu.vector_load_idx %arg7[%add3A_20] : memref<60000xf32, #tpu.memory_space<vmem>>[vector<16xi32>], vector<16xf32>,
      %add3A_21 = arith.constant 0 : i32
      %add3A_22 = arith.addi %mul3A_17, %add3A_21 : i32
      %broadcast_in_dim3A = vector.broadcast %add3A_22 : i32 to vector<16xi32>
      %gather3A_23 = tpu.vector_load_idx %arg7[%broadcast_in_dim3A] : memref<60000xf32, #tpu.memory_space<vmem>>[vector<16xi32>], vector<16xf32>,
      %sub3A = arith.subf %gather3A, %gather3A_23 : vector<16xf32>
      %swap3A = arith.index_cast %multiple_of3A : i32 to index
      %swap3A_24 = tpu.vector_load %arg9[%swap3A] {strides = array<i32>} : memref<10000xf32, #tpu.memory_space<vmem>>, vector<16xf32>,
      tpu.vector_store %arg9[%swap3A], %sub3A {strides = array<i32>} : memref<10000xf32, #tpu.memory_space<vmem>>, vector<16xf32>,
      %add3A_25 = arith.constant 1 : i32
      %add3A_26 = vector.broadcast %add3A_25 : i32 to vector<16xi32>
      %add3A_27 = arith.addi %mul3A_12, %add3A_26 : vector<16xi32>
      %gather3A_28 = tpu.vector_load_idx %arg7[%add3A_27] : memref<60000xf32, #tpu.memory_space<vmem>>[vector<16xi32>], vector<16xf32>,
      %add3A_29 = arith.constant 1 : i32
      %add3A_30 = arith.addi %mul3A_17, %add3A_29 : i32
      %broadcast_in_dim3A_31 = vector.broadcast %add3A_30 : i32 to vector<16xi32>
      %gather3A_32 = tpu.vector_load_idx %arg7[%broadcast_in_dim3A_31] : memref<60000xf32, #tpu.memory_space<vmem>>[vector<16xi32>], vector<16xf32>,
      %sub3A_33 = arith.subf %gather3A_28, %gather3A_32 : vector<16xf32>
      %swap3A_34 = arith.index_cast %multiple_of3A : i32 to index
      %swap3A_35 = tpu.vector_load %arg10[%swap3A_34] {strides = array<i32>} : memref<10000xf32, #tpu.memory_space<vmem>>, vector<16xf32>,
      tpu.vector_store %arg10[%swap3A_34], %sub3A_33 {strides = array<i32>} : memref<10000xf32, #tpu.memory_space<vmem>>, vector<16xf32>,
      %add3A_36 = arith.constant 2 : i32
      %add3A_37 = vector.broadcast %add3A_36 : i32 to vector<16xi32>
      %add3A_38 = arith.addi %mul3A_12, %add3A_37 : vector<16xi32>
      %gather3A_39 = tpu.vector_load_idx %arg7[%add3A_38] : memref<60000xf32, #tpu.memory_space<vmem>>[vector<16xi32>], vector<16xf32>,
      %add3A_40 = arith.constant 2 : i32
      %add3A_41 = arith.addi %mul3A_17, %add3A_40 : i32
      %broadcast_in_dim3A_42 = vector.broadcast %add3A_41 : i32 to vector<16xi32>
      %gather3A_43 = tpu.vector_load_idx %arg7[%broadcast_in_dim3A_42] : memref<60000xf32, #tpu.memory_space<vmem>>[vector<16xi32>], vector<16xf32>,
      %sub3A_44 = arith.subf %gather3A_39, %gather3A_43 : vector<16xf32>
      %swap3A_45 = arith.index_cast %multiple_of3A : i32 to index
      %swap3A_46 = tpu.vector_load %arg11[%swap3A_45] {strides = array<i32>} : memref<10000xf32, #tpu.memory_space<vmem>>, vector<16xf32>,
      tpu.vector_store %arg11[%swap3A_45], %sub3A_44 {strides = array<i32>} : memref<10000xf32, #tpu.memory_space<vmem>>, vector<16xf32>,
    }
    %scan3A_5 = arith.constant 625 : i32
    "tpu.region"() ({
      %run_scoped3A = tpu.sem_alloc : memref<!tpu.dma_semaphore, #tpu.memory_space<semaphore_mem>>
      %dma_start3A = arith.constant 0 : i32
      %dma_start3A_6 = tpu.memref_slice %arg4[%add3A, %dma_start3A] : memref<32x10000xf32, #tpu.memory_space<hbm>> -> memref<1x10000xf32, #tpu.memory_space<hbm>>
      %dma_start3A_7 = tpu.memref_squeeze %dma_start3A_6 : memref<1x10000xf32, #tpu.memory_space<hbm>> -> memref<10000xf32, #tpu.memory_space<hbm>>
      %dma_start3A_8 = arith.constant 0 : i32
      %dma_start3A_9 = tpu.memref_slice %arg4[%add3A, %dma_start3A_8] : memref<32x10000xf32, #tpu.memory_space<hbm>> -> memref<1x10000xf32, #tpu.memory_space<hbm>>
      %dma_start3A_10 = tpu.memref_squeeze %dma_start3A_9 : memref<1x10000xf32, #tpu.memory_space<hbm>> -> memref<10000xf32, #tpu.memory_space<hbm>>
      tpu.enqueue_dma source(%arg9 : memref<10000xf32, #tpu.memory_space<vmem>>) target(%dma_start3A_10 : memref<10000xf32, #tpu.memory_space<hbm>>) target_semaphore(%run_scoped3A : memref<!tpu.dma_semaphore, #tpu.memory_space<semaphore_mem>>)
      %dma_wait3A = arith.constant 0 : i32
      %dma_wait3A_11 = tpu.memref_slice %arg4[%add3A, %dma_wait3A] : memref<32x10000xf32, #tpu.memory_space<hbm>> -> memref<1x10000xf32, #tpu.memory_space<hbm>>
      %dma_wait3A_12 = tpu.memref_squeeze %dma_wait3A_11 : memref<1x10000xf32, #tpu.memory_space<hbm>> -> memref<10000xf32, #tpu.memory_space<hbm>>
      %dma_wait3A_13 = arith.constant 0 : i32
      %dma_wait3A_14 = tpu.memref_slice %arg4[%add3A, %dma_wait3A_13] : memref<32x10000xf32, #tpu.memory_space<hbm>> -> memref<1x10000xf32, #tpu.memory_space<hbm>>
      %dma_wait3A_15 = tpu.memref_squeeze %dma_wait3A_14 : memref<1x10000xf32, #tpu.memory_space<hbm>> -> memref<10000xf32, #tpu.memory_space<hbm>>
      tpu.wait_dma2 semaphore(%run_scoped3A : memref<!tpu.dma_semaphore, #tpu.memory_space<semaphore_mem>>) src(%arg9 : memref<10000xf32, #tpu.memory_space<vmem>>) dst(%dma_wait3A_15 : memref<10000xf32, #tpu.memory_space<hbm>>)
      tpu.yield
    }) : () -> ()
    "tpu.region"() ({
      %run_scoped3A = tpu.sem_alloc : memref<!tpu.dma_semaphore, #tpu.memory_space<semaphore_mem>>
      %dma_start3A = arith.constant 0 : i32
      %dma_start3A_6 = tpu.memref_slice %arg5[%add3A, %dma_start3A] : memref<32x10000xf32, #tpu.memory_space<hbm>> -> memref<1x10000xf32, #tpu.memory_space<hbm>>
      %dma_start3A_7 = tpu.memref_squeeze %dma_start3A_6 : memref<1x10000xf32, #tpu.memory_space<hbm>> -> memref<10000xf32, #tpu.memory_space<hbm>>
      %dma_start3A_8 = arith.constant 0 : i32
      %dma_start3A_9 = tpu.memref_slice %arg5[%add3A, %dma_start3A_8] : memref<32x10000xf32, #tpu.memory_space<hbm>> -> memref<1x10000xf32, #tpu.memory_space<hbm>>
      %dma_start3A_10 = tpu.memref_squeeze %dma_start3A_9 : memref<1x10000xf32, #tpu.memory_space<hbm>> -> memref<10000xf32, #tpu.memory_space<hbm>>
      tpu.enqueue_dma source(%arg10 : memref<10000xf32, #tpu.memory_space<vmem>>) target(%dma_start3A_10 : memref<10000xf32, #tpu.memory_space<hbm>>) target_semaphore(%run_scoped3A : memref<!tpu.dma_semaphore, #tpu.memory_space<semaphore_mem>>)
      %dma_wait3A = arith.constant 0 : i32
      %dma_wait3A_11 = tpu.memref_slice %arg5[%add3A, %dma_wait3A] : memref<32x10000xf32, #tpu.memory_space<hbm>> -> memref<1x10000xf32, #tpu.memory_space<hbm>>
      %dma_wait3A_12 = tpu.memref_squeeze %dma_wait3A_11 : memref<1x10000xf32, #tpu.memory_space<hbm>> -> memref<10000xf32, #tpu.memory_space<hbm>>
      %dma_wait3A_13 = arith.constant 0 : i32
      %dma_wait3A_14 = tpu.memref_slice %arg5[%add3A, %dma_wait3A_13] : memref<32x10000xf32, #tpu.memory_space<hbm>> -> memref<1x10000xf32, #tpu.memory_space<hbm>>
      %dma_wait3A_15 = tpu.memref_squeeze %dma_wait3A_14 : memref<1x10000xf32, #tpu.memory_space<hbm>> -> memref<10000xf32, #tpu.memory_space<hbm>>
      tpu.wait_dma2 semaphore(%run_scoped3A : memref<!tpu.dma_semaphore, #tpu.memory_space<semaphore_mem>>) src(%arg10 : memref<10000xf32, #tpu.memory_space<vmem>>) dst(%dma_wait3A_15 : memref<10000xf32, #tpu.memory_space<hbm>>)
      tpu.yield
    }) : () -> ()
    "tpu.region"() ({
      %run_scoped3A = tpu.sem_alloc : memref<!tpu.dma_semaphore, #tpu.memory_space<semaphore_mem>>
      %dma_start3A = arith.constant 0 : i32
      %dma_start3A_6 = tpu.memref_slice %arg6[%add3A, %dma_start3A] : memref<32x10000xf32, #tpu.memory_space<hbm>> -> memref<1x10000xf32, #tpu.memory_space<hbm>>
      %dma_start3A_7 = tpu.memref_squeeze %dma_start3A_6 : memref<1x10000xf32, #tpu.memory_space<hbm>> -> memref<10000xf32, #tpu.memory_space<hbm>>
      %dma_start3A_8 = arith.constant 0 : i32
      %dma_start3A_9 = tpu.memref_slice %arg6[%add3A, %dma_start3A_8] : memref<32x10000xf32, #tpu.memory_space<hbm>> -> memref<1x10000xf32, #tpu.memory_space<hbm>>
      %dma_start3A_10 = tpu.memref_squeeze %dma_start3A_9 : memref<1x10000xf32, #tpu.memory_space<hbm>> -> memref<10000xf32, #tpu.memory_space<hbm>>
      tpu.enqueue_dma source(%arg11 : memref<10000xf32, #tpu.memory_space<vmem>>) target(%dma_start3A_10 : memref<10000xf32, #tpu.memory_space<hbm>>) target_semaphore(%run_scoped3A : memref<!tpu.dma_semaphore, #tpu.memory_space<semaphore_mem>>)
      %dma_wait3A = arith.constant 0 : i32
      %dma_wait3A_11 = tpu.memref_slice %arg6[%add3A, %dma_wait3A] : memref<32x10000xf32, #tpu.memory_space<hbm>> -> memref<1x10000xf32, #tpu.memory_space<hbm>>
      %dma_wait3A_12 = tpu.memref_squeeze %dma_wait3A_11 : memref<1x10000xf32, #tpu.memory_space<hbm>> -> memref<10000xf32, #tpu.memory_space<hbm>>
      %dma_wait3A_13 = arith.constant 0 : i32
      %dma_wait3A_14 = tpu.memref_slice %arg6[%add3A, %dma_wait3A_13] : memref<32x10000xf32, #tpu.memory_space<hbm>> -> memref<1x10000xf32, #tpu.memory_space<hbm>>
      %dma_wait3A_15 = tpu.memref_squeeze %dma_wait3A_14 : memref<1x10000xf32, #tpu.memory_space<hbm>> -> memref<10000xf32, #tpu.memory_space<hbm>>
      tpu.wait_dma2 semaphore(%run_scoped3A : memref<!tpu.dma_semaphore, #tpu.memory_space<semaphore_mem>>) src(%arg11 : memref<10000xf32, #tpu.memory_space<vmem>>) dst(%dma_wait3A_15 : memref<10000xf32, #tpu.memory_space<hbm>>)
      tpu.yield
    }) : () -> ()
    return
  }
}

module attributes {stable_mosaic.version = 14 : i64} {
  func.func @_conv_body(%arg0: i32, %arg1: memref<3x256xf32, #tpu.memory_space<vmem>>, %arg2: memref<1000x16xf32, #tpu.memory_space<vmem>>, %arg3: memref<1000x16xf32, #tpu.memory_space<vmem>>, %arg4: memref<1000x16xf32, #tpu.memory_space<vmem>>, %arg5: memref<1000x64xf32, #tpu.memory_space<vmem>>) attributes {dimension_semantics = [#tpu.dimension_semantics<parallel>], iteration_bounds = array<i64: 20>, scalar_prefetch = 0 : i64, scratch_operands = 0 : i64, tpu.core_type = #tpu.core_type<tc>, window_params = [{pipeline_mode = #tpu.pipeline_mode<synchronous>, transform_indices = @transform_0, window_bounds = array<i64: 3, 256>}, {transform_indices = @transform_1, window_bounds = array<i64: 1000, 16>}, {transform_indices = @transform_2, window_bounds = array<i64: 1000, 16>}, {transform_indices = @transform_3, window_bounds = array<i64: 1000, 16>}, {transform_indices = @transform_4, window_bounds = array<i64: 1000, 64>}]} {
    %get3A = arith.constant 0 : index
    %get3A_0 = arith.constant 0 : index
    %get3A_1 = vector.load %arg1[%get3A, %get3A_0] : memref<3x256xf32, #tpu.memory_space<vmem>>, vector<3x256xf32>
    %mul3A = arith.mulf %get3A_1, %get3A_1 : vector<3x256xf32>
    %reduce_sum3A = arith.constant dense<0.000000e+00> : vector<256xf32>
    %reduce_sum3A_2 = vector.multi_reduction <add>, %mul3A, %reduce_sum3A [0] : vector<3x256xf32> to vector<256xf32>
    %broadcast_in_dim3A = vector.shape_cast %reduce_sum3A_2 : vector<256xf32> to vector<1x256xf32>
    %sqrt3A = math.sqrt %broadcast_in_dim3A : vector<1x256xf32>
    %max3A = arith.constant 9.99999996E-13 : f32
    %max3A_3 = vector.broadcast %max3A : f32 to vector<1x256xf32>
    %max3A_4 = arith.maximumf %sqrt3A, %max3A_3 : vector<1x256xf32>
    %div3A = arith.constant 1.000000e+00 : f32
    %div3A_5 = vector.broadcast %div3A : f32 to vector<1x256xf32>
    %div3A_6 = arith.divf %div3A_5, %max3A_4 : vector<1x256xf32>
    %mul3A_7 = vector.broadcast %div3A_6 : vector<1x256xf32> to vector<3x256xf32>
    %mul3A_8 = arith.mulf %get3A_1, %mul3A_7 : vector<3x256xf32>
    %slice3A = vector.extract_strided_slice %mul3A_8 {offsets = [0, 0], sizes = [1, 256], strides = [1, 1]} : vector<3x256xf32> to vector<1x256xf32>
    %reshape3A = vector.shape_cast %slice3A : vector<1x256xf32> to vector<1x1x256xf32>
    %slice3A_9 = vector.extract_strided_slice %mul3A_8 {offsets = [1, 0], sizes = [1, 256], strides = [1, 1]} : vector<3x256xf32> to vector<1x256xf32>
    %reshape3A_10 = vector.shape_cast %slice3A_9 : vector<1x256xf32> to vector<1x1x256xf32>
    %slice3A_11 = vector.extract_strided_slice %mul3A_8 {offsets = [2, 0], sizes = [1, 256], strides = [1, 1]} : vector<3x256xf32> to vector<1x256xf32>
    %reshape3A_12 = vector.shape_cast %slice3A_11 : vector<1x256xf32> to vector<1x1x256xf32>
    %get3A_13 = arith.constant 0 : index
    %get3A_14 = arith.constant 0 : index
    %get3A_15 = vector.load %arg2[%get3A_13, %get3A_14] : memref<1000x16xf32, #tpu.memory_space<vmem>>, vector<1000x16xf32>
    %get3A_16 = arith.constant 0 : index
    %get3A_17 = arith.constant 0 : index
    %get3A_18 = vector.load %arg3[%get3A_16, %get3A_17] : memref<1000x16xf32, #tpu.memory_space<vmem>>, vector<1000x16xf32>
    %get3A_19 = arith.constant 0 : index
    %get3A_20 = arith.constant 0 : index
    %get3A_21 = vector.load %arg4[%get3A_19, %get3A_20] : memref<1000x16xf32, #tpu.memory_space<vmem>>, vector<1000x16xf32>
    %mul3A_22 = arith.mulf %get3A_15, %get3A_15 : vector<1000x16xf32>
    %mul3A_23 = arith.mulf %get3A_18, %get3A_18 : vector<1000x16xf32>
    %add3A = arith.addf %mul3A_22, %mul3A_23 : vector<1000x16xf32>
    %mul3A_24 = arith.mulf %get3A_21, %get3A_21 : vector<1000x16xf32>
    %add3A_25 = arith.addf %add3A, %mul3A_24 : vector<1000x16xf32>
    %max3A_26 = arith.constant 1.000000e-24 : f32
    %max3A_27 = vector.broadcast %max3A_26 : f32 to vector<1000x16xf32>
    %max3A_28 = arith.maximumf %add3A_25, %max3A_27 : vector<1000x16xf32>
    %rsqrt3A = math.rsqrt %max3A_28 : vector<1000x16xf32>
    %mul3A_29 = arith.mulf %get3A_15, %rsqrt3A : vector<1000x16xf32>
    %convert_element_type3A = arith.truncf %mul3A_29 : vector<1000x16xf32> to vector<1000x16xbf16>
    %mul3A_30 = arith.mulf %get3A_18, %rsqrt3A : vector<1000x16xf32>
    %convert_element_type3A_31 = arith.truncf %mul3A_30 : vector<1000x16xf32> to vector<1000x16xbf16>
    %mul3A_32 = arith.mulf %get3A_21, %rsqrt3A : vector<1000x16xf32>
    %convert_element_type3A_33 = arith.truncf %mul3A_32 : vector<1000x16xf32> to vector<1000x16xbf16>
    %convert_element_type3A_34 = arith.truncf %reshape3A : vector<1x1x256xf32> to vector<1x1x256xbf16>
    %convert_element_type3A_35 = arith.truncf %reshape3A_10 : vector<1x1x256xf32> to vector<1x1x256xbf16>
    %convert_element_type3A_36 = arith.truncf %reshape3A_12 : vector<1x1x256xf32> to vector<1x1x256xbf16>
    %broadcast_in_dim3A_37 = vector.shape_cast %convert_element_type3A : vector<1000x16xbf16> to vector<1000x16x1xbf16>
    %mul3A_38 = vector.broadcast %broadcast_in_dim3A_37 : vector<1000x16x1xbf16> to vector<1000x16x256xbf16>
    %mul3A_39 = vector.broadcast %convert_element_type3A_34 : vector<1x1x256xbf16> to vector<1000x16x256xbf16>
    %mul3A_40 = arith.mulf %mul3A_38, %mul3A_39 : vector<1000x16x256xbf16>
    %broadcast_in_dim3A_41 = vector.shape_cast %convert_element_type3A_31 : vector<1000x16xbf16> to vector<1000x16x1xbf16>
    %mul3A_42 = vector.broadcast %broadcast_in_dim3A_41 : vector<1000x16x1xbf16> to vector<1000x16x256xbf16>
    %mul3A_43 = vector.broadcast %convert_element_type3A_35 : vector<1x1x256xbf16> to vector<1000x16x256xbf16>
    %mul3A_44 = arith.mulf %mul3A_42, %mul3A_43 : vector<1000x16x256xbf16>
    %add3A_45 = arith.addf %mul3A_40, %mul3A_44 : vector<1000x16x256xbf16>
    %broadcast_in_dim3A_46 = vector.shape_cast %convert_element_type3A_33 : vector<1000x16xbf16> to vector<1000x16x1xbf16>
    %mul3A_47 = vector.broadcast %broadcast_in_dim3A_46 : vector<1000x16x1xbf16> to vector<1000x16x256xbf16>
    %mul3A_48 = vector.broadcast %convert_element_type3A_36 : vector<1x1x256xbf16> to vector<1000x16x256xbf16>
    %mul3A_49 = arith.mulf %mul3A_47, %mul3A_48 : vector<1000x16x256xbf16>
    %add3A_50 = arith.addf %add3A_45, %mul3A_49 : vector<1000x16x256xbf16>
    %slice3A_51 = vector.extract_strided_slice %add3A_50 {offsets = [0, 0, 0], sizes = [1000, 8, 256], strides = [1, 1, 1]} : vector<1000x16x256xbf16> to vector<1000x8x256xbf16>
    %slice3A_52 = vector.extract_strided_slice %add3A_50 {offsets = [0, 8, 0], sizes = [1000, 8, 256], strides = [1, 1, 1]} : vector<1000x16x256xbf16> to vector<1000x8x256xbf16>
    %max3A_53 = arith.maximumf %slice3A_51, %slice3A_52 : vector<1000x8x256xbf16>
    %slice3A_54 = vector.extract_strided_slice %max3A_53 {offsets = [0, 0, 0], sizes = [1000, 4, 256], strides = [1, 1, 1]} : vector<1000x8x256xbf16> to vector<1000x4x256xbf16>
    %slice3A_55 = vector.extract_strided_slice %max3A_53 {offsets = [0, 4, 0], sizes = [1000, 4, 256], strides = [1, 1, 1]} : vector<1000x8x256xbf16> to vector<1000x4x256xbf16>
    %max3A_56 = arith.maximumf %slice3A_54, %slice3A_55 : vector<1000x4x256xbf16>
    %slice3A_57 = vector.extract_strided_slice %max3A_56 {offsets = [0, 0, 0], sizes = [1000, 2, 256], strides = [1, 1, 1]} : vector<1000x4x256xbf16> to vector<1000x2x256xbf16>
    %slice3A_58 = vector.extract_strided_slice %max3A_56 {offsets = [0, 2, 0], sizes = [1000, 2, 256], strides = [1, 1, 1]} : vector<1000x4x256xbf16> to vector<1000x2x256xbf16>
    %max3A_59 = arith.maximumf %slice3A_57, %slice3A_58 : vector<1000x2x256xbf16>
    %slice3A_60 = vector.extract_strided_slice %max3A_59 {offsets = [0, 0, 0], sizes = [1000, 1, 256], strides = [1, 1, 1]} : vector<1000x2x256xbf16> to vector<1000x1x256xbf16>
    %slice3A_61 = vector.extract_strided_slice %max3A_59 {offsets = [0, 1, 0], sizes = [1000, 1, 256], strides = [1, 1, 1]} : vector<1000x2x256xbf16> to vector<1000x1x256xbf16>
    %max3A_62 = arith.maximumf %slice3A_60, %slice3A_61 : vector<1000x1x256xbf16>
    %reshape3A_63 = vector.shape_cast %max3A_62 : vector<1000x1x256xbf16> to vector<1000x256xbf16>
    %convert_element_type3A_64 = arith.extf %reshape3A_63 : vector<1000x256xbf16> to vector<1000x256xf32>
    %max3A_65 = arith.constant 0.000000e+00 : f32
    %max3A_66 = vector.broadcast %max3A_65 : f32 to vector<1000x256xf32>
    %max3A_67 = arith.maximumf %convert_element_type3A_64, %max3A_66 : vector<1000x256xf32>
    %slice3A_68 = vector.extract_strided_slice %max3A_67 {offsets = [0, 0], sizes = [1000, 128], strides = [1, 1]} : vector<1000x256xf32> to vector<1000x128xf32>
    %slice3A_69 = vector.extract_strided_slice %max3A_67 {offsets = [0, 128], sizes = [1000, 128], strides = [1, 1]} : vector<1000x256xf32> to vector<1000x128xf32>
    %add3A_70 = arith.addf %slice3A_68, %slice3A_69 : vector<1000x128xf32>
    %slice3A_71 = vector.extract_strided_slice %add3A_70 {offsets = [0, 0], sizes = [1000, 64], strides = [1, 1]} : vector<1000x128xf32> to vector<1000x64xf32>
    %slice3A_72 = vector.extract_strided_slice %add3A_70 {offsets = [0, 64], sizes = [1000, 64], strides = [1, 1]} : vector<1000x128xf32> to vector<1000x64xf32>
    %add3A_73 = arith.addf %slice3A_71, %slice3A_72 : vector<1000x64xf32>
    %swap3A = arith.constant 0 : index
    %swap3A_74 = arith.constant 0 : index
    %swap3A_75 = vector.load %arg5[%swap3A, %swap3A_74] : memref<1000x64xf32, #tpu.memory_space<vmem>>, vector<1000x64xf32>
    tpu.vector_store %arg5[%swap3A, %swap3A_74], %add3A_73 {strides = array<i32>} : memref<1000x64xf32, #tpu.memory_space<vmem>>, vector<1000x64xf32>,
    return
  }
  func.func @transform_0(%arg0: i32) -> (i32, i32) {
    %c0_i32 = arith.constant 0 : i32
    %c0_i32_0 = arith.constant 0 : i32
    %c0_i32_1 = arith.constant 0 : i32
    return %c0_i32, %c0_i32_0 : i32, i32
  }
  func.func @transform_1(%arg0: i32) -> (i32, i32) {
    %c0_i32 = arith.constant 0 : i32
    %c0_i32_0 = arith.constant 0 : i32
    return %arg0, %c0_i32 : i32, i32
  }
  func.func @transform_2(%arg0: i32) -> (i32, i32) {
    %c0_i32 = arith.constant 0 : i32
    %c0_i32_0 = arith.constant 0 : i32
    return %arg0, %c0_i32 : i32, i32
  }
  func.func @transform_3(%arg0: i32) -> (i32, i32) {
    %c0_i32 = arith.constant 0 : i32
    %c0_i32_0 = arith.constant 0 : i32
    return %arg0, %c0_i32 : i32, i32
  }
  func.func @transform_4(%arg0: i32) -> (i32, i32) {
    %c0_i32 = arith.constant 0 : i32
    %c0_i32_0 = arith.constant 0 : i32
    return %arg0, %c0_i32 : i32, i32
  }
}

</mosaic_0001>

<sc_bundles>
// kernel: kernel.4.cloned.1.call-start
scs
__scs_entry_jumppad:
0x0: {  	(pc) =	sbr.rel $0x88, $3  }
0x1: {  	(tag) =	ssettag $0x0;
	lr =	simm.s32 $0x1  }
0x2: {  	[smem:$0x3F9E] =	sst lr;
	_ =	strace $0xD0000000  }
0x3: {  	_ = 	snop  }
0x4: {  	_ = 	snop  }
0x5: {  	_ = 	snop  }
0x6: {  	_ = 	snop  }
0x7: {  	_ = 	snop  }
__scs_overlays_trampoline_lowered:
0x8: {  	[smem:$0x3FAD] =	sst s0  }
0x9: {  	[smem:$0x3FAE] =	sst s1  }
0xa: {  	[smem:$0x3FAF] =	sst s2  }
0xb: {  	[smem:$0x3FB0] =	sst s3  }
0xc: {  	[smem:$0x3FB1] =	sst s4  }
0xd: {  	[smem:$0x3FB2] =	sst s5  }
0xe: {  	[smem:$0x3FB3] =	sst s6  }
0xf: {  	[smem:$0x3FB4] =	sst s7  }
0x10: {  	[smem:$0x3FB5] =	sst s8  }
0x11: {  	[smem:$0x3FB6] =	sst s9;
	s0 =	simm.s32 @!p0 $0x0  }
0x12: {  	s1 =	sld [smem:$0x3F9C];
	s0 =	simm.s32 @p0 $0x1  }
0x13: {  	[smem:$0x3FB7] =	sst s0;
	s0 =	simm.s32 @!p1 $0x0  }
0x14: {  	s2 =	sld [smem:$0x3F9B];
	s0 =	simm.s32 @p1 $0x1  }
0x15: {  	[smem:$0x3FB8] =	sst s0;
	s0 =	simm.s32 @!p2 $0x0  }
0x16: {  	s3 =	sld [smem:$0x3FDB];
	s0 =	simm.s32 @p2 $0x1  }
0x17: {  	s4 =	simm.s32 $0x1BF5;
	[smem:$0x3FBA] =	sst s0  }
0x18: {  	s0 =	sld [smem:$0x3F9D];
	_ =	swait.ge [sflag:s4], $0x0  }
0x19: {  	s7 =	sld [smem:$0x3F9E]  }
0x1a: {  	s8 =	sadd.s32 $0xFFFFE003, lr  }
0x1b: {  	s9 =	sadd.s32 $0xFFFFFEF7, lr;
	s5 =	simm.s32 $0xFFFFFFFF;
	p2 =	slt.u32 s8, $0xFFFFF086  }
0x1c: {  	p1 =	slt.u32 s9, $0xF7A;
	s5 =	simm.s32 @!p2 $0x0  }
0x1d: {  	s5 =	simm.s32 @p1 $0x1;
	p0 =	seq.s32 s7, s2  }
0x1e: {  	s7 =	smul.u32 @!p0 $0xF7A, s2;
	p2 =	seq.s32 @!p0 s5, $0x0  }
0x1f: {  	s9 =	smul.u32 $0xF7A, s1;
	s8 =	simm.s32 @!p0 $0x1BF5;
	p2 =	por !p2, p0  }
0x20: {  	[sflag:s8] =	ssyncset.s32 @!p0 $0xFFFFF086;
	s6 =	sadd.s32 @!p0 s3, s7;
	s7 =	simm.s32 @!p0 $0x108  }
0x21: {  	s3 =	sadd.s32 s3, s9;
	s6 =	sadd.s32 @!p0 $0x88, s6;
	s7 =	simm.s32 @p2 $0x1082  }
0x22: {  	[simem:s7], [sflag:s8] =	dma.local @!p0 [hbm:s6], $0xF7A  }
0x23: {  	s9 =	sor.u32 $0xD0000000, s2;
	s6 =	simm.s32 $0x108;
	_ =	swait.ge @!p0 [sflag:s8], $0x0  }
0x24: {  	s3 =	sadd.s32 $0x88, s3;
	s6 =	simm.s32 @!p1 $0x1082;
	[sflag:s4] =	ssyncset.s32 $0xFFFFF086  }
0x25: {  	[simem:s6], [sflag:s4] =	dma.local [hbm:s3], $0xF7A  }
0x26: {  	[smem:$0x3F9E] =	sst s1;
	(tag) =	ssettag s2;
	_ =	strace s9  }
0x27: {  	s1 =	sld [smem:$0x3FAE]  }
0x28: {  	s2 =	sld [smem:$0x3FAF]  }
0x29: {  	s4 =	sld [smem:$0x3FB1]  }
0x2a: {  	p0 =	seq.s32 s5, $0x0;
	s5 =	sld [smem:$0x3FB2]  }
0x2b: {  	s6 =	sld [smem:$0x3FB3]  }
0x2c: {  	s7 =	sld [smem:$0x3FB4]  }
0x2d: {  	s3 =	simm.s32 $0x108;
	s8 =	sld [smem:$0x3FB5]  }
0x2e: {  	s3 =	simm.s32 @!p0 $0x1082;
	s9 =	sld [smem:$0x3FB6]  }
0x2f: {  	lr =	sadd.s32 s0, s3;
	s0 =	sld [smem:$0x3FAD]  }
0x30: {  	s3 =	sld [smem:$0x3FB0]  }
0x31: {  	[smem:$0x3FB9] =	sst s10  }
0x32: {  	s10 =	sld [smem:$0x3FB7];
	_ =	sdelay $0x3  }
0x33: {  	p0 =	seq.s32 s10, $0x1;
	s10 =	sld [smem:$0x3FB9];
	_ =	sdelay $0x3  }
0x34: {  	[smem:$0x3FB9] =	sst s10  }
0x35: {  	s10 =	sld [smem:$0x3FB8];
	_ =	sdelay $0x3  }
0x36: {  	p1 =	seq.s32 s10, $0x1;
	s10 =	sld [smem:$0x3FB9];
	_ =	sdelay $0x3  }
0x37: {  	[smem:$0x3FB9] =	sst s10  }
0x38: {  	s10 =	sld [smem:$0x3FBA]  }
0x39: {  	_ = 	snop;
	(pc) =	sbr.ind lr, $3  }
0x3a: {  	_ = 	snop  }
0x3b: {  	_ = 	snop  }
0x3c: {  	p2 =	seq.s32 s10, $0x1;
	s10 =	sld [smem:$0x3FB9]  }
0x3d: {  	_ =	shalt  }
0x3e: {  	_ =	shalt  }
0x3f: {  	_ =	shalt  }
0x40: {  	_ =	shalt  }
0x41: {  	_ =	shalt  }
0x42: {  	_ =	shalt  }
0x43: {  	_ =	shalt  }
0x44: {  	_ =	shalt  }
0x45: {  	_ =	shalt  }
0x46: {  	_ =	shalt  }
0x47: {  	_ =	shalt  }
0x48: {  	_ =	shalt  }
0x49: {  	_ =	shalt  }
0x4a: {  	_ =	shalt  }
0x4b: {  	_ =	shalt  }
0x4c: {  	_ =	shalt  }
0x4d: {  	_ =	shalt  }
0x4e: {  	_ =	shalt  }
0x4f: {  	_ =	shalt  }
0x50: {  	_ =	shalt  }
0x51: {  	_ =	shalt  }
0x52: {  	_ =	shalt  }
0x53: {  	_ =	shalt  }
0x54: {  	_ =	shalt  }
0x55: {  	_ =	shalt  }
0x56: {  	_ =	shalt  }
0x57: {  	_ =	shalt  }
0x58: {  	_ =	shalt  }
0x59: {  	_ =	shalt  }
0x5a: {  	_ =	shalt  }
0x5b: {  	_ =	shalt  }
0x5c: {  	_ =	shalt  }
0x5d: {  	_ =	shalt  }
0x5e: {  	_ =	shalt  }
0x5f: {  	_ =	shalt  }
0x60: {  	_ =	shalt  }
0x61: {  	_ =	shalt  }
0x62: {  	_ =	shalt  }
0x63: {  	_ =	shalt  }
0x64: {  	_ =	shalt  }
0x65: {  	_ =	shalt  }
0x66: {  	_ =	shalt  }
0x67: {  	_ =	shalt  }
0x68: {  	_ =	shalt  }
0x69: {  	_ =	shalt  }
0x6a: {  	_ =	shalt  }
0x6b: {  	_ =	shalt  }
0x6c: {  	_ =	shalt  }
0x6d: {  	_ =	shalt  }
0x6e: {  	_ =	shalt  }
0x6f: {  	_ =	shalt  }
0x70: {  	_ =	shalt  }
0x71: {  	_ =	shalt  }
0x72: {  	_ =	shalt  }
0x73: {  	_ =	shalt  }
0x74: {  	_ =	shalt  }
0x75: {  	_ =	shalt  }
0x76: {  	_ =	shalt  }
0x77: {  	_ =	shalt  }
0x78: {  	_ =	shalt  }
0x79: {  	_ =	shalt  }
0x7a: {  	_ =	shalt  }
0x7b: {  	_ =	shalt  }
0x7c: {  	_ =	shalt  }
0x7d: {  	_ =	shalt  }
0x7e: {  	_ =	shalt  }
0x7f: {  	_ =	shalt  }
0x80: {  	_ =	shalt  }
0x81: {  	_ =	shalt  }
0x82: {  	_ =	shalt  }
0x83: {  	_ =	shalt  }
0x84: {  	_ =	shalt  }
0x85: {  	_ =	shalt  }
0x86: {  	_ =	shalt  }
0x87: {  	_ =	shalt  }
.Lfunc_end0:
.L_simem_size_0:
called_computation_lowered:
.L_overlay_start_0:
0x88: {  	s2 =	sld [smem:$0x3FD9]  }
0x89: {  	s3 =	sld [smem:$0x3FFE];
	_ =	sdelay $0x1  }
0x8a: {  	s1 =	srdreg.scid  }
0x8b: {  	s0 =	sand.u32 $0x1, s1  }
0x8c: {  	s17 =	sshll.u32 s0, $0xA;
	s2 =	sadd.s32 s3, s2  }
0x8d: {  	s2 =	sadd.s32 s2, s17  }
0x8e: {  	[smem:$0x3FC5] =	sst s2  }
0x8f: {  	_ = 	snop  }
0x90: {  	s2 =	sld [smem:$0x3FD0];
	(tm) =	ssettm $0x1  }
0x91: {  	s18 =	sld [smem:$0x3FFB];
	_ =	sdelay $0x3  }
0x92: {  	_ =	strace s18  }
0x93: {  	s3 =	sld [smem:$0x3FFC];
	_ =	sdelay $0x3  }
0x94: {  	_ =	strace s3  }
0x95: {  	s3 =	sld [smem:$0x3FFD];
	_ =	sdelay $0x3  }
0x96: {  	_ =	strace s3  }
0x97: {  	_ =	strace $0x8FFFFFFF  }
0x98: {  	s19 =	sld [smem:$0x3FDB];
	_ =	sdelay $0x1  }
0x99: {  	s4 =	simm.s32 $_scs_section_size  }
0x9a: {  	s5 =	simm.s32 $_size__tile_overlayer_lowered;
	s6 =	simm.s32 $_tile_overlayer_lowered  }
0x9b: {  	s22 =	simm.s32 $0x1BFF;
	s21 =	sshll.u32 s6, $0x1;
	s3 =	sadd.s32 s4, s19  }
0x9c: {  	s7 =	simm.s32 $0x0;
	s20 =	sshll.u32 s5, $0x1;
	s5 =	sadd.s32 s21, s3  }
0x9d: {  	[timem:s7], [sflag:s22] =	dma.local [hbm:s5], s20  }
0x9e: {  	_ =	swait.ge [sflag:s22], s20  }
0x9f: {  	s4 =	ssub.s32 $0x0, s20;
	[sflag:s22] =	ssyncset.done $0x0  }
0xa0: {  	[sflag:s22] =	ssyncadd.s32 s4;
	_ =	sdelay $0x1  }
0xa1: {  	s23 =	simm.s32 $0x1B8B  }
0xa2: {  	_ =	swait.ge [sflag:s23], $0x1  }
0xa3: {  	[sflag:s23] =	ssyncset.done $0x0  }
0xa4: {  	s25 =	simm.s32 $0x1B8E;
	s24 =	sld [smem:$0x3FFE];
	[sflag:s23] =	ssyncadd.s32 $0xFFFFFFFF  }
0xa5: {  	s26 =	simm.s32 $execute0_lowered;
	[smem:$0x3FD2] =	sst s25  }
0xa6: {  	s5 =	sshll.u32 s26, $0x1;
	_ =	strace $0x80000046;
	[dreg:$0x1] =	wrdreg $0xFFFFFFFF  }
0xa7: {  	s28 =	simm.s32 $_size_execute0_lowered;
	s3 =	sadd.s32 s3, s5;
	[dreg:$0x0] =	wrdreg $0x0  }
0xa8: {  	s5 =	sshll.u32 s28, $0x1;
	[dreg:$0x2] =	wrdreg s3  }
0xa9: {  	[dreg:$0x3] =	wrdreg s5  }
0xaa: {  	[dreg:$0x4] =	wrdreg $0xC0  }
0xab: {  	_ =	task [dreg:s7], $0x5FFFF  }
0xac: {  	[dreg:$0x1] =	wrdreg $0xFFFFFFFF  }
0xad: {  	[dreg:$0x0] =	wrdreg $0x60  }
0xae: {  	[dreg:$0x2] =	wrdreg s24  }
0xaf: {  	[dreg:$0x3] =	wrdreg s2  }
0xb0: {  	[dreg:$0x4] =	wrdreg $0x9  }
0xb1: {  	_ =	task.clear_ibuf [dreg:s7], $0x5FFFF;
	_ =	strace $0x90000046  }
0xb2: {  	s29 =	simm.s32 $0x9;
	_ =	strace $0x80000048  }
0xb3: {  	_ =	swait.ge [sflag:s29], $0x1  }
0xb4: {  	[sflag:s29] =	ssyncadd.s32 $0xFFFFFFFF  }
0xb5: {  	_ =	strace $0x90000048  }
0xb6: {  	_ =	sfence  }
0xb7: {  	s30 =	sld [smem:$0x0];
	_ =	sdelay $0x2  }
0xb8: {  	s31 =	sshll.u32 s1, $0xD;
	s1 =	sshrl.u32 s1, $0x2  }
0xb9: {  	s3 =	sand.u32 $0x4000, s31;
	s1 =	sadd.s32 s1, s30  }
0xba: {  	s0 =	sor.u32 s3, s0;
	s1 =	sshll.u32 s1, $0x11  }
0xbb: {  	s0 =	sor.u32 s1, s0  }
0xbc: {  	s0 =	sadd.s32 $0x8F2B, s0  }
0xbd: {  	[sflag:s0] =	ssyncadd.remote.s32 $0x1  }
0xbe: {  	_ =	sfence.sel $0xFFFF  }
0xbf: {  	[dreg:$0x0] =	wrdreg $0xFFFFFFFF;
	(pc) =	sbr.abs _section_cstart, $3  }
0xc0: {  	[dreg:$0x1] =	wrdreg $0xFFFFFFFF  }
0xc1: {  	_ =	task.clear_ibuf [dreg:s7], $0x2FFFF;
	_ =	strace $0x9FFFFFFF  }
0xc2: {  	(tm) =	ssettm $0x7FFFFFFF  }
0xc3: {  	_ =	shalt  }
tec
execute0_lowered:
.L_overlay_start_1:
0x0: {  	(tag) =	ssettag $0x1  }
0x1: {  	s4 =	rddreg [dreg:$0x0]  }
0x2: {  	s5 =	rddreg [dreg:$0x1]  }
0x3: {  	s0 =	rddreg [dreg:$0x2]  }
0x4: {  	s3 =	srdreg.scid;
	s2 =	simm.s32 $0x0;
	s1 =	stileid.u32  }
0x5: {  	s12 =	simm.s32 $0x400;
	s13 =	simm.s32 $0xEA80;
	s14 =	simm.s32 $0x11200  }
0x6: {  	s15 =	simm.s32 $0x13980;
	s16 =	simm.s32 $0x16100;
	s17 =	simm.s32 $0x0  }
0x7: {  	s6 =	sand.u32 $0x1, s3;
	s26 =	sshrl.u32 s1, $0x2;
	s7 =	sshll.u32 s1, $0x8  }
0x8: {  	[smem:$0x7FF] =	sst s2;
	s3 =	sadd.s32 $0x1000, s4;
	s8 =	sshll.u32 s6, $0x7  }
0x9: {  	s9 =	smul.u32 $0x13C00, s26;
	s29 =	ssub.s32 $0x2, s6;
	s28 =	sor.u32 s8, s7  }
0xa: {  	s10 =	smul.u32 $0xEA6, s1;
	s30 =	sshrl.u32 s29, $0x1;
	s7 =	sand.u32 $0x380, s28  }
0xb: {  	s31 =	smul.u32 $0x753, s6;
	s8 =	ssub.s32 s29, s30;
	s7 =	sor.u32 s9, s7  }
0xc: {  	_ =	strace $0x80000047;
	s8 =	smax.u32 s8, $0x1;
	s7 =	sshrl.u32 s7, $0x3  }
0xd: {  	s9 =	sadd.s32 s31, s10;
	s10 =	simm.s32 $0x1;
	s11 =	sadd.s32 s7, s4  }
0xe: {  	s9 =	sadd.s32 $0x2, s9;
	s4 =	sadd.s32 s5, s7;
	s5 =	sadd.s32 $0x2E00, s11  }
0xf: {  	s6 =	sadd.s32 $0xCC00, s11;
	s7 =	sadd.s32 $0x16A00, s11;
	s11 =	simm.s32 $0x80  }
.LBB2_1:
0x10: {  	[tilespmem:s2], [sflag:$0x1] =	stream.linear.gather [hbm4b:s3+s2], $0xEA80, $0x38;
	[tilespmem:$0x18880] =	vst v63  }
0x11: {  	_ =	swait.ge [sflag:s10], $0xEA80  }
0x12: {  	[sflag:s10] =	ssyncset.done $0x0  }
0x13: {  	[sflag:s10] =	ssyncadd.s32 $0xFFFF1580  }
0x14: {  	[tilespmem:s13], [sflag:$0x1] =	stream.strided.gather [hbm4b:s4+s11], $0x2780, s12, s11, $0x38;
	[tilespmem:$0x18880] =	vst v63  }
0x15: {  	_ =	swait.ge [sflag:s10], $0x2780  }
0x16: {  	[sflag:s10] =	ssyncset.done $0x0  }
0x17: {  	s18 =	simm.s32 $0x0;
	[sflag:s10] =	ssyncadd.s32 $0xFFFFD880  }
0x18: {  	v0 =	vld [tilespmem:s18+$0xEA80];
	_ =	sdelay $0x3  }
0x19: {  	s19 =	sadd.s32 $0xFFFFFFFE, s9  }
0x1a: {  	v1 =	vmov s19;
	v0 =	vmul.u32 $0x3, v0;
	_ =	sdelay $0x4  }
0x1b: {  	v1 =	vld.idx.msk [tilespmem:v1+s2+$0x0], $0xffff  }
0x1c: {  	v2 =	vld.idx.msk [tilespmem:v0+s2+$0x0], $0xffff;
	_ =	sdelay $0x2  }
0x1d: {  	s31 =	sadd.s32 $0xFFFFFFFF, s9;
	v3 =	vadd.s32 $0x1, v0  }
0x1e: {  	v4 =	vmov s31  }
0x1f: {  	v1 =	vsub.f32 v2, v1;
	_ =	sdelay $0x1  }
0x20: {  	[tilespmem:s18+$0x11200] =	vst v1  }
0x21: {  	v1 =	vld.idx.msk [tilespmem:v3+s2+$0x0], $0xffff  }
0x22: {  	v2 =	vld.idx.msk [tilespmem:v4+s2+$0x0], $0xffff;
	_ =	sdelay $0x2  }
0x23: {  	v3 =	vmov s9  }
0x24: {  	v0 =	vadd.s32 $0x2, v0  }
0x25: {  	v1 =	vsub.f32 v1, v2  }
0x26: {  	s21 =	simm.s32 $0x10  }
0x27: {  	v4 =	vld [tilespmem:s21+$0xEA80];
	[tilespmem:s18+$0x13980] =	vst v1  }
0x28: {  	v1 =	vld.idx.msk [tilespmem:v3+s2+$0x0], $0xffff  }
0x29: {  	v2 =	vld.idx.msk [tilespmem:v0+s2+$0x0], $0xffff  }
0x2a: {  	s19 =	sadd.s32 $0x3, s9  }
0x2b: {  	s22 =	sadd.s32 $0xFFFFFFFE, s19  }
0x2c: {  	s20 =	simm.s32 $0x80;
	v0 =	vmul.u32 $0x3, v4;
	v3 =	vmov s22  }
.LBB2_2:
0x2d: {  	p0 =	sne.s32 s20, $0x9C00;
	s22 =	smov.u32 s20;
	s20 =	sadd.s32 $0x40, s20  }
0x2e: {  	v1 =	vsub.f32 v2, v1;
	_ =	sdelay $0x1  }
0x2f: {  	[tilespmem:s18+$0x16100] =	vst v1;
	s18 =	smov.u32 s21  }
0x30: {  	v1 =	vld.idx.msk [tilespmem:v3+s2+$0x0], $0xffff  }
0x31: {  	v2 =	vld.idx.msk [tilespmem:v0+s2+$0x0], $0xffff;
	_ =	sdelay $0x3  }
0x32: {  	s21 =	sadd.s32 $0xFFFFFFFF, s19;
	v3 =	vadd.s32 $0x1, v0  }
0x33: {  	v4 =	vmov s21  }
0x34: {  	v1 =	vsub.f32 v2, v1;
	_ =	sdelay $0x1  }
0x35: {  	[tilespmem:s18+$0x11200] =	vst v1  }
0x36: {  	v1 =	vld.idx.msk [tilespmem:v3+s2+$0x0], $0xffff  }
0x37: {  	v2 =	vld.idx.msk [tilespmem:v4+s2+$0x0], $0xffff;
	_ =	sdelay $0x3  }
0x38: {  	v0 =	vadd.s32 $0x2, v0;
	v3 =	vmov s19;
	_ =	sdelay $0x1  }
0x39: {  	v1 =	vsub.f32 v1, v2  }
0x3a: {  	s21 =	sshra.s32 s22, $0x2  }
0x3b: {  	v4 =	vld [tilespmem:s21+$0xEA80];
	[tilespmem:s18+$0x13980] =	vst v1  }
0x3c: {  	v1 =	vld.idx.msk [tilespmem:v3+s2+$0x0], $0xffff  }
.Ltmp0:
0x3d: {  	v2 =	vld.idx.msk [tilespmem:v0+s2+$0x0], $0xffff;
	(pc) =	sbr.rel @p0 .LBB2_2-.Ltmp0, $4  }
0x3e: {  	_ = 	snop  }
0x3f: {  	s19 =	sadd.s32 $0x3, s19  }
0x40: {  	s22 =	sadd.s32 $0xFFFFFFFE, s19  }
0x41: {  	v3 =	vmov s22;
	v0 =	vmul.u32 $0x3, v4  }
0x42: {  	_ = 	snop  }
0x43: {  	v1 =	vsub.f32 v2, v1;
	_ =	sdelay $0x1  }
0x44: {  	[tilespmem:s18+$0x16100] =	vst v1  }
0x45: {  	v1 =	vld.idx.msk [tilespmem:v3+s2+$0x0], $0xffff  }
0x46: {  	v59 =	vld.idx.msk [tilespmem:v0+s2+$0x0], $0xffff;
	_ =	sdelay $0x2  }
0x47: {  	s31 =	sadd.s32 $0xFFFFFFFF, s19;
	v60 =	vadd.s32 $0x1, v0  }
0x48: {  	v4 =	vmov s31  }
0x49: {  	v1 =	vsub.f32 v59, v1;
	_ =	sdelay $0x1  }
0x4a: {  	[tilespmem:s21+$0x11200] =	vst v1  }
0x4b: {  	v1 =	vld.idx.msk [tilespmem:v60+s2+$0x0], $0xffff  }
0x4c: {  	v61 =	vld.idx.msk [tilespmem:v4+s2+$0x0], $0xffff;
	_ =	sdelay $0x2  }
0x4d: {  	v62 =	vmov s19  }
0x4e: {  	v63 =	vadd.s32 $0x2, v0  }
0x4f: {  	v1 =	vsub.f32 v1, v61;
	_ =	sdelay $0x1  }
0x50: {  	[tilespmem:s21+$0x13980] =	vst v1  }
0x51: {  	v1 =	vld.idx.msk [tilespmem:v62+s2+$0x0], $0xffff  }
0x52: {  	v0 =	vld.idx.msk [tilespmem:v63+s2+$0x0], $0xffff;
	_ =	sdelay $0x4  }
0x53: {  	v0 =	vsub.f32 v0, v1;
	_ =	sdelay $0x1  }
0x54: {  	[tilespmem:s21+$0x16100] =	vst v0  }
0x55: {  	[hbm4b:s5+s11] =	stream.strided.scatter [tilespmem:s14], [sflag:$0x1], $0x2780, s12, s11, $0x38;
	[tilespmem:$0x18880] =	vst v63  }
0x56: {  	_ =	swait.ge [sflag:s10], $0x2780  }
0x57: {  	[sflag:s10] =	ssyncset.done $0x0  }
0x58: {  	[sflag:s10] =	ssyncadd.s32 $0xFFFFD880  }
0x59: {  	[hbm4b:s6+s11] =	stream.strided.scatter [tilespmem:s15], [sflag:$0x1], $0x2780, s12, s11, $0x38;
	[tilespmem:$0x18880] =	vst v63  }
0x5a: {  	s17 =	sadd.s32 $0x1, s17;
	_ =	swait.ge [sflag:s10], $0x2780  }
0x5b: {  	p0 =	sne.s32 s17, s8;
	[sflag:s10] =	ssyncset.done $0x0  }
.Ltmp1:
0x5c: {  	[sflag:s10] =	ssyncadd.s32 $0xFFFFD880;
	(pc) =	sbr.rel @p0 .LBB2_1-.Ltmp1, $4  }
0x5d: {  	[hbm4b:s7+s11] =	stream.strided.scatter [tilespmem:s16], [sflag:$0x1], $0x2780, s12, s11, $0x38;
	[tilespmem:$0x18880] =	vst v63  }
0x5e: {  	_ =	swait.ge [sflag:s10], $0x2780  }
0x5f: {  	[sflag:s10] =	ssyncset.done $0x0  }
0x60: {  	[sflag:s10] =	ssyncadd.s32 $0xFFFFD880  }
0x61: {  	_ =	sfence.sel $0x180000  }
0x62: {  	[bflag:$0x0] =	sbarrier.arrive $0xFFFF  }
0x63: {  	p0 =	sne.s32 s1, $0x0;
	_ =	strace $0x90000047  }
0x64: {  	s0 =	sadd.s32 @!p0 $0x100000, s0;
	[bflag:$0x2] =	sbarrier.arrive $0xFFFF  }
0x65: {  	[sflag:s0] =	ssyncadd.tile.s32 @!p0 $0x1;
	_ =	shalt  }
.Lfunc_end2:
_tile_overlayer_lowered:
.L_overlay_start_2:
0x66: {  	(tag) =	ssettag $0x2  }
0x67: {  	s0 =	rddreg [dreg:$0x0];
	s2 =	stileid.u32  }
0x68: {  	s1 =	rddreg [dreg:$0x1];
	p0 =	sne.s32 s2, $0x0  }
0x69: {  	s3 =	rddreg [dreg:$0x2];
	[bflag:$0x3] =	sbarrier.arrive $0xFFFF;
	s2 =	simm.s32 @!p0 $0x1C01  }
0x6a: {  	[timem:s3], [sflag:s2] =	dma.local @!p0 [hbm:s0], s1  }
0x6b: {  	s0 =	simm.s32 @!p0 $0x1  }
0x6c: {  	_ =	swait.ge @!p0 [sflag:s0], s1  }
0x6d: {  	s1 =	ssub.s32 @!p0 $0x0, s1;
	[sflag:s0] =	ssyncset.done @!p0 $0x0  }
0x6e: {  	[sflag:s0] =	ssyncadd.s32 @!p0 s1  }
0x6f: {  	[bflag:$0x3] =	sbarrier.arrive $0xFFFF  }
0x70: {  	_ =	shalt  }

</sc_bundles>
